<compile_context>
chip_gen: v7x
topology: tpu7x:2x2x1
jax: 0.10.2.dev20260603
libtpu: 0.0.44.dev20260713+nightly
codegen_flags: <defaults>
</compile_context>

<pallas_src>
import functools

import jax
import jax.numpy as jnp
from jax import lax
from jax.experimental import pallas as pl
from jax.experimental.pallas import tpu as pltpu
from jax.experimental.pallas import tpu_sc as plsc

NUM_E = 1024
DIM = 64
PAD = 128
ROWS = 16384
BLK = 4096
NSTEPS = ROWS // BLK


def _distance_argmin_body(x_ref, w_ref, idxflat_ref, loss_ref):
    step = pl.program_id(0)
    x = x_ref[...]
    w = w_ref[...]
    xsq = jnp.sum(x * x, axis=1, keepdims=True)
    xsqT = lax.transpose(xsq, (1, 0))
    wsqT = jnp.sum(w * w, axis=1, keepdims=True)
    sT = lax.dot_general(w, x, (((1,), (1,)), ((), ())),
                         preferred_element_type=jnp.float32)
    dT = (xsqT + wsqT) - 2.0 * sT
    minvalT = jnp.min(dT, axis=0, keepdims=True)
    ids = lax.broadcasted_iota(jnp.int32, dT.shape, 0)
    amin = jnp.min(jnp.where(dT == minvalT, ids, NUM_E), axis=0)
    idxflat_ref[...] = amin

    @pl.when(step == 0)
    def _():
        loss_ref[0, 0] = 0.0

    loss_ref[0, 0] += jnp.sum(minvalT)

    @pl.when(step == NSTEPS - 1)
    def _():
        loss_ref[0, 0] = loss_ref[0, 0] * (1.25 / (ROWS * DIM))


_distance_argmin = pl.pallas_call(
    _distance_argmin_body,
    grid=(NSTEPS,),
    in_specs=[
        pl.BlockSpec((BLK, DIM), lambda i: (i, 0)),
        pl.BlockSpec((NUM_E, DIM), lambda i: (0, 0)),
    ],
    out_specs=[
        pl.BlockSpec((BLK,), lambda i: (i,)),
        pl.BlockSpec((1, 1), lambda i: (0, 0), memory_space=pltpu.SMEM),
    ],
    out_shape=[
        jax.ShapeDtypeStruct((ROWS,), jnp.int32),
        jax.ShapeDtypeStruct((1, 1), jnp.float32),
    ],
)

_NC = 2
_NS = 16
_NW = _NC * _NS
_BPW = ROWS // _NW


@functools.cache
def _make_codebook_gather():
    mesh = plsc.VectorSubcoreMesh(
        core_axis_name="c", subcore_axis_name="s",
        num_cores=_NC, num_subcores=_NS)

    nchunk = 4
    crows = _BPW // nchunk

    @functools.partial(
        pl.kernel,
        mesh=mesh,
        out_type=jax.ShapeDtypeStruct((ROWS, PAD), jnp.float32),
        scratch_types=[
            [pltpu.VMEM((crows,), jnp.int32)] * nchunk,
            [pltpu.VMEM((crows, PAD), jnp.float32)] * nchunk,
            pltpu.SemaphoreType.DMA,
            [pltpu.SemaphoreType.DMA] * nchunk,
        ],
    )
    def _codebook_gather(table_hbm, idx_hbm, out_hbm, idx_c, rows_c, isem, gsems):
        wid = lax.axis_index("s") * _NC + lax.axis_index("c")
        base = wid * _BPW
        copies = [
            pltpu.async_copy(idx_hbm.at[pl.ds(base + c * crows, crows)],
                             idx_c[c], isem)
            for c in range(nchunk)
        ]
        for cp in copies:
            cp.wait()
        gathers = [
            pltpu.async_copy(table_hbm.at[idx_c[c]], rows_c[c], gsems[c])
            for c in range(nchunk)
        ]
        for c in range(nchunk):
            gathers[c].wait()
            pltpu.sync_copy(rows_c[c],
                            out_hbm.at[pl.ds(base + c * crows, crows)])

    return _codebook_gather


def kernel(inputs, weight):
    flat = inputs.reshape(ROWS, DIM)
    idx1, loss_acc = _distance_argmin(flat, weight)
    table = jnp.pad(weight, ((0, 0), (0, PAD - DIM)))
    q_pad = _make_codebook_gather()(table, idx1)
    quantized = q_pad[:, :DIM].reshape(inputs.shape)
    return idx1, quantized, loss_acc.reshape(())

# --- scband reference (transcript-rebuilt; emitter-appended) ---
"""Pipeline reference for scband-vector-quantizer-30365418782927 (READ-ONLY COPY).

The authoritative reference and input builder live on the scoring server;
editing this copy changes nothing except your own understanding.
"""

import jax, jax.numpy as jnp
import numpy as np

NUM_EMBEDDINGS = 1024
EMBEDDING_DIM = 64
COMMITMENT = 0.25


def setup_inputs(seed: int = 0) -> dict:
    key = jax.random.key(seed)
    k1, k2 = jax.random.split(key)
    inputs = jax.random.normal(k1, (16, 1024, EMBEDDING_DIM), dtype=jnp.float32)
    lim = 1.0 / NUM_EMBEDDINGS
    weight = jax.random.uniform(k2, (NUM_EMBEDDINGS, EMBEDDING_DIM), minval=-lim, maxval=lim, dtype=jnp.float32)
    return {"inputs": inputs, "weight": weight}


def reference(inputs, weight):
    input_shape = inputs.shape
    flat_input = inputs.reshape(-1, EMBEDDING_DIM)
    # pairwise squared L2 distances to codebook rows
    distances = (jnp.sum(flat_input ** 2, axis=1, keepdims=True)
                 + jnp.sum(weight ** 2, axis=1)
                 - 2.0 * jnp.matmul(flat_input, weight.T))
    encoding_indices = jnp.argmin(distances, axis=1)
    encodings = jax.nn.one_hot(encoding_indices, NUM_EMBEDDINGS, dtype=jnp.float32)
    quantized = jnp.matmul(encodings, weight).reshape(input_shape)
    e_latent_loss = jnp.mean((jax.lax.stop_gradient(quantized) - inputs) ** 2)
    q_latent_loss = jnp.mean((quantized - jax.lax.stop_gradient(inputs)) ** 2)
    loss = q_latent_loss + COMMITMENT * e_latent_loss
    # straight-through estimator (module default training=True)
    quantized_st = inputs + jax.lax.stop_gradient(quantized - inputs)
    return encoding_indices[:, None], quantized_st, loss

if __name__ == "__main__":
    import jax
    _d = setup_inputs()
    print(jax.jit(kernel)(*tuple(_d.values())))

</pallas_src>

<mosaic_0001>
#map = affine_map<(d0, d1) -> (0, 0)>
#map1 = affine_map<(d0, d1) -> (0)>
module attributes {stable_mosaic.version = 14 : i64} {
  func.func @_codebook_gather(%arg0: i32, %arg1: i32, %arg2: memref<1024x128xf32, #tpu.memory_space<hbm>>, %arg3: memref<16384xi32, #tpu.memory_space<hbm>>, %arg4: memref<16384x128xf32, #tpu.memory_space<hbm>>, %arg5: memref<128xi32, #tpu.memory_space<vmem>>, %arg6: memref<128xi32, #tpu.memory_space<vmem>>, %arg7: memref<128xi32, #tpu.memory_space<vmem>>, %arg8: memref<128xi32, #tpu.memory_space<vmem>>, %arg9: memref<128x128xf32, #tpu.memory_space<vmem>>, %arg10: memref<128x128xf32, #tpu.memory_space<vmem>>, %arg11: memref<128x128xf32, #tpu.memory_space<vmem>>, %arg12: memref<128x128xf32, #tpu.memory_space<vmem>>, %arg13: memref<!tpu.dma_semaphore, #tpu.memory_space<semaphore_mem>>, %arg14: memref<!tpu.dma_semaphore, #tpu.memory_space<semaphore_mem>>, %arg15: memref<!tpu.dma_semaphore, #tpu.memory_space<semaphore_mem>>, %arg16: memref<!tpu.dma_semaphore, #tpu.memory_space<semaphore_mem>>, %arg17: memref<!tpu.dma_semaphore, #tpu.memory_space<semaphore_mem>>) attributes {dimension_semantics = [#tpu.dimension_semantics<core_parallel>, #tpu.dimension_semantics<subcore_parallel>], iteration_bounds = array<i64: 2, 16>, scalar_prefetch = 0 : i64, scratch_operands = 13 : i64, tpu.core_type = #tpu.core_type<sc_vector_subcore>, window_params = [{transform_indices = #map}, {transform_indices = #map1}, {transform_indices = #map}]} {
    %mul3A = arith.constant 2 : i32
    %mul3A_0 = arith.muli %arg1, %mul3A : i32
    %add3A = arith.addi %mul3A_0, %arg0 : i32
    %mul3A_1 = arith.constant 512 : i32
    %mul3A_2 = arith.muli %add3A, %mul3A_1 : i32
    %add3A_3 = arith.constant 0 : i32
    %add3A_4 = arith.addi %mul3A_2, %add3A_3 : i32
    %dma_start3A = tpu.memref_slice %arg3[%add3A_4] : memref<16384xi32, #tpu.memory_space<hbm>> -> memref<128xi32, #tpu.memory_space<hbm>>
    %dma_start3A_5 = tpu.memref_slice %arg3[%add3A_4] : memref<16384xi32, #tpu.memory_space<hbm>> -> memref<128xi32, #tpu.memory_space<hbm>>
    tpu.enqueue_dma source(%dma_start3A_5 : memref<128xi32, #tpu.memory_space<hbm>>) target(%arg5 : memref<128xi32, #tpu.memory_space<vmem>>) target_semaphore(%arg13 : memref<!tpu.dma_semaphore, #tpu.memory_space<semaphore_mem>>)
    %add3A_6 = arith.constant 128 : i32
    %add3A_7 = arith.addi %mul3A_2, %add3A_6 : i32
    %dma_start3A_8 = tpu.memref_slice %arg3[%add3A_7] : memref<16384xi32, #tpu.memory_space<hbm>> -> memref<128xi32, #tpu.memory_space<hbm>>
    %dma_start3A_9 = tpu.memref_slice %arg3[%add3A_7] : memref<16384xi32, #tpu.memory_space<hbm>> -> memref<128xi32, #tpu.memory_space<hbm>>
    tpu.enqueue_dma source(%dma_start3A_9 : memref<128xi32, #tpu.memory_space<hbm>>) target(%arg6 : memref<128xi32, #tpu.memory_space<vmem>>) target_semaphore(%arg13 : memref<!tpu.dma_semaphore, #tpu.memory_space<semaphore_mem>>)
    %add3A_10 = arith.constant 256 : i32
    %add3A_11 = arith.addi %mul3A_2, %add3A_10 : i32
    %dma_start3A_12 = tpu.memref_slice %arg3[%add3A_11] : memref<16384xi32, #tpu.memory_space<hbm>> -> memref<128xi32, #tpu.memory_space<hbm>>
    %dma_start3A_13 = tpu.memref_slice %arg3[%add3A_11] : memref<16384xi32, #tpu.memory_space<hbm>> -> memref<128xi32, #tpu.memory_space<hbm>>
    tpu.enqueue_dma source(%dma_start3A_13 : memref<128xi32, #tpu.memory_space<hbm>>) target(%arg7 : memref<128xi32, #tpu.memory_space<vmem>>) target_semaphore(%arg13 : memref<!tpu.dma_semaphore, #tpu.memory_space<semaphore_mem>>)
    %add3A_14 = arith.constant 384 : i32
    %add3A_15 = arith.addi %mul3A_2, %add3A_14 : i32
    %dma_start3A_16 = tpu.memref_slice %arg3[%add3A_15] : memref<16384xi32, #tpu.memory_space<hbm>> -> memref<128xi32, #tpu.memory_space<hbm>>
    %dma_start3A_17 = tpu.memref_slice %arg3[%add3A_15] : memref<16384xi32, #tpu.memory_space<hbm>> -> memref<128xi32, #tpu.memory_space<hbm>>
    tpu.enqueue_dma source(%dma_start3A_17 : memref<128xi32, #tpu.memory_space<hbm>>) target(%arg8 : memref<128xi32, #tpu.memory_space<vmem>>) target_semaphore(%arg13 : memref<!tpu.dma_semaphore, #tpu.memory_space<semaphore_mem>>)
    %dma_wait3A = tpu.memref_slice %arg3[%add3A_4] : memref<16384xi32, #tpu.memory_space<hbm>> -> memref<128xi32, #tpu.memory_space<hbm>>
    %dma_wait3A_18 = tpu.memref_slice %arg3[%add3A_4] : memref<16384xi32, #tpu.memory_space<hbm>> -> memref<128xi32, #tpu.memory_space<hbm>>
    tpu.wait_dma2 semaphore(%arg13 : memref<!tpu.dma_semaphore, #tpu.memory_space<semaphore_mem>>) src(%dma_wait3A_18 : memref<128xi32, #tpu.memory_space<hbm>>) dst(%arg5 : memref<128xi32, #tpu.memory_space<vmem>>)
    %dma_wait3A_19 = tpu.memref_slice %arg3[%add3A_7] : memref<16384xi32, #tpu.memory_space<hbm>> -> memref<128xi32, #tpu.memory_space<hbm>>
    %dma_wait3A_20 = tpu.memref_slice %arg3[%add3A_7] : memref<16384xi32, #tpu.memory_space<hbm>> -> memref<128xi32, #tpu.memory_space<hbm>>
    tpu.wait_dma2 semaphore(%arg13 : memref<!tpu.dma_semaphore, #tpu.memory_space<semaphore_mem>>) src(%dma_wait3A_20 : memref<128xi32, #tpu.memory_space<hbm>>) dst(%arg6 : memref<128xi32, #tpu.memory_space<vmem>>)
    %dma_wait3A_21 = tpu.memref_slice %arg3[%add3A_11] : memref<16384xi32, #tpu.memory_space<hbm>> -> memref<128xi32, #tpu.memory_space<hbm>>
    %dma_wait3A_22 = tpu.memref_slice %arg3[%add3A_11] : memref<16384xi32, #tpu.memory_space<hbm>> -> memref<128xi32, #tpu.memory_space<hbm>>
    tpu.wait_dma2 semaphore(%arg13 : memref<!tpu.dma_semaphore, #tpu.memory_space<semaphore_mem>>) src(%dma_wait3A_22 : memref<128xi32, #tpu.memory_space<hbm>>) dst(%arg7 : memref<128xi32, #tpu.memory_space<vmem>>)
    %dma_wait3A_23 = tpu.memref_slice %arg3[%add3A_15] : memref<16384xi32, #tpu.memory_space<hbm>> -> memref<128xi32, #tpu.memory_space<hbm>>
    %dma_wait3A_24 = tpu.memref_slice %arg3[%add3A_15] : memref<16384xi32, #tpu.memory_space<hbm>> -> memref<128xi32, #tpu.memory_space<hbm>>
    tpu.wait_dma2 semaphore(%arg13 : memref<!tpu.dma_semaphore, #tpu.memory_space<semaphore_mem>>) src(%dma_wait3A_24 : memref<128xi32, #tpu.memory_space<hbm>>) dst(%arg8 : memref<128xi32, #tpu.memory_space<vmem>>)
    %dma_start3A_25 = arith.constant 0 : i32
    %dma_start3A_26 = arith.constant 0 : i32
    %dma_start3A_27 = tpu.memref_slice %arg2[%dma_start3A_25, %dma_start3A_26] : memref<1024x128xf32, #tpu.memory_space<hbm>> -> memref<1024x128xf32, #tpu.memory_space<hbm>>
    tpu.enqueue_indirect_dma source(%dma_start3A_27 : memref<1024x128xf32, #tpu.memory_space<hbm>>) target(%arg9 : memref<128x128xf32, #tpu.memory_space<vmem>>) offsets(%arg5 : memref<128xi32, #tpu.memory_space<vmem>>) semaphore(%arg14 : memref<!tpu.dma_semaphore, #tpu.memory_space<semaphore_mem>>)
    %dma_start3A_28 = arith.constant 0 : i32
    %dma_start3A_29 = arith.constant 0 : i32
    %dma_start3A_30 = tpu.memref_slice %arg2[%dma_start3A_28, %dma_start3A_29] : memref<1024x128xf32, #tpu.memory_space<hbm>> -> memref<1024x128xf32, #tpu.memory_space<hbm>>
    tpu.enqueue_indirect_dma source(%dma_start3A_30 : memref<1024x128xf32, #tpu.memory_space<hbm>>) target(%arg10 : memref<128x128xf32, #tpu.memory_space<vmem>>) offsets(%arg6 : memref<128xi32, #tpu.memory_space<vmem>>) semaphore(%arg15 : memref<!tpu.dma_semaphore, #tpu.memory_space<semaphore_mem>>)
    %dma_start3A_31 = arith.constant 0 : i32
    %dma_start3A_32 = arith.constant 0 : i32
    %dma_start3A_33 = tpu.memref_slice %arg2[%dma_start3A_31, %dma_start3A_32] : memref<1024x128xf32, #tpu.memory_space<hbm>> -> memref<1024x128xf32, #tpu.memory_space<hbm>>
    tpu.enqueue_indirect_dma source(%dma_start3A_33 : memref<1024x128xf32, #tpu.memory_space<hbm>>) target(%arg11 : memref<128x128xf32, #tpu.memory_space<vmem>>) offsets(%arg7 : memref<128xi32, #tpu.memory_space<vmem>>) semaphore(%arg16 : memref<!tpu.dma_semaphore, #tpu.memory_space<semaphore_mem>>)
    %dma_start3A_34 = arith.constant 0 : i32
    %dma_start3A_35 = arith.constant 0 : i32
    %dma_start3A_36 = tpu.memref_slice %arg2[%dma_start3A_34, %dma_start3A_35] : memref<1024x128xf32, #tpu.memory_space<hbm>> -> memref<1024x128xf32, #tpu.memory_space<hbm>>
    tpu.enqueue_indirect_dma source(%dma_start3A_36 : memref<1024x128xf32, #tpu.memory_space<hbm>>) target(%arg12 : memref<128x128xf32, #tpu.memory_space<vmem>>) offsets(%arg8 : memref<128xi32, #tpu.memory_space<vmem>>) semaphore(%arg17 : memref<!tpu.dma_semaphore, #tpu.memory_space<semaphore_mem>>)
    %dma_wait3A_37 = arith.constant 0 : i32
    %dma_wait3A_38 = arith.constant 0 : i32
    %dma_wait3A_39 = tpu.memref_slice %arg2[%dma_wait3A_37, %dma_wait3A_38] : memref<1024x128xf32, #tpu.memory_space<hbm>> -> memref<1024x128xf32, #tpu.memory_space<hbm>>
    tpu.wait_indirect_dma semaphore(%arg14 : memref<!tpu.dma_semaphore, #tpu.memory_space<semaphore_mem>>) src(%dma_wait3A_39 : memref<1024x128xf32, #tpu.memory_space<hbm>>) dst(%arg9 : memref<128x128xf32, #tpu.memory_space<vmem>>)
    %add3A_40 = arith.constant 0 : i32
    %add3A_41 = arith.addi %mul3A_2, %add3A_40 : i32
    "tpu.region"() ({
      %run_scoped3A = tpu.sem_alloc : memref<!tpu.dma_semaphore, #tpu.memory_space<semaphore_mem>>
      %dma_start3A_57 = arith.constant 0 : i32
      %dma_start3A_58 = tpu.memref_slice %arg4[%add3A_41, %dma_start3A_57] : memref<16384x128xf32, #tpu.memory_space<hbm>> -> memref<128x128xf32, #tpu.memory_space<hbm>>
      %dma_start3A_59 = arith.constant 0 : i32
      %dma_start3A_60 = tpu.memref_slice %arg4[%add3A_41, %dma_start3A_59] : memref<16384x128xf32, #tpu.memory_space<hbm>> -> memref<128x128xf32, #tpu.memory_space<hbm>>
      tpu.enqueue_dma source(%arg9 : memref<128x128xf32, #tpu.memory_space<vmem>>) target(%dma_start3A_60 : memref<128x128xf32, #tpu.memory_space<hbm>>) target_semaphore(%run_scoped3A : memref<!tpu.dma_semaphore, #tpu.memory_space<semaphore_mem>>)
      %dma_wait3A_61 = arith.constant 0 : i32
      %dma_wait3A_62 = tpu.memref_slice %arg4[%add3A_41, %dma_wait3A_61] : memref<16384x128xf32, #tpu.memory_space<hbm>> -> memref<128x128xf32, #tpu.memory_space<hbm>>
      %dma_wait3A_63 = arith.constant 0 : i32
      %dma_wait3A_64 = tpu.memref_slice %arg4[%add3A_41, %dma_wait3A_63] : memref<16384x128xf32, #tpu.memory_space<hbm>> -> memref<128x128xf32, #tpu.memory_space<hbm>>
      tpu.wait_dma2 semaphore(%run_scoped3A : memref<!tpu.dma_semaphore, #tpu.memory_space<semaphore_mem>>) src(%arg9 : memref<128x128xf32, #tpu.memory_space<vmem>>) dst(%dma_wait3A_64 : memref<128x128xf32, #tpu.memory_space<hbm>>)
      tpu.yield
    }) : () -> ()
    %dma_wait3A_42 = arith.constant 0 : i32
    %dma_wait3A_43 = arith.constant 0 : i32
    %dma_wait3A_44 = tpu.memref_slice %arg2[%dma_wait3A_42, %dma_wait3A_43] : memref<1024x128xf32, #tpu.memory_space<hbm>> -> memref<1024x128xf32, #tpu.memory_space<hbm>>
    tpu.wait_indirect_dma semaphore(%arg15 : memref<!tpu.dma_semaphore, #tpu.memory_space<semaphore_mem>>) src(%dma_wait3A_44 : memref<1024x128xf32, #tpu.memory_space<hbm>>) dst(%arg10 : memref<128x128xf32, #tpu.memory_space<vmem>>)
    %add3A_45 = arith.constant 128 : i32
    %add3A_46 = arith.addi %mul3A_2, %add3A_45 : i32
    "tpu.region"() ({
      %run_scoped3A = tpu.sem_alloc : memref<!tpu.dma_semaphore, #tpu.memory_space<semaphore_mem>>
      %dma_start3A_57 = arith.constant 0 : i32
      %dma_start3A_58 = tpu.memref_slice %arg4[%add3A_46, %dma_start3A_57] : memref<16384x128xf32, #tpu.memory_space<hbm>> -> memref<128x128xf32, #tpu.memory_space<hbm>>
      %dma_start3A_59 = arith.constant 0 : i32
      %dma_start3A_60 = tpu.memref_slice %arg4[%add3A_46, %dma_start3A_59] : memref<16384x128xf32, #tpu.memory_space<hbm>> -> memref<128x128xf32, #tpu.memory_space<hbm>>
      tpu.enqueue_dma source(%arg10 : memref<128x128xf32, #tpu.memory_space<vmem>>) target(%dma_start3A_60 : memref<128x128xf32, #tpu.memory_space<hbm>>) target_semaphore(%run_scoped3A : memref<!tpu.dma_semaphore, #tpu.memory_space<semaphore_mem>>)
      %dma_wait3A_61 = arith.constant 0 : i32
      %dma_wait3A_62 = tpu.memref_slice %arg4[%add3A_46, %dma_wait3A_61] : memref<16384x128xf32, #tpu.memory_space<hbm>> -> memref<128x128xf32, #tpu.memory_space<hbm>>
      %dma_wait3A_63 = arith.constant 0 : i32
      %dma_wait3A_64 = tpu.memref_slice %arg4[%add3A_46, %dma_wait3A_63] : memref<16384x128xf32, #tpu.memory_space<hbm>> -> memref<128x128xf32, #tpu.memory_space<hbm>>
      tpu.wait_dma2 semaphore(%run_scoped3A : memref<!tpu.dma_semaphore, #tpu.memory_space<semaphore_mem>>) src(%arg10 : memref<128x128xf32, #tpu.memory_space<vmem>>) dst(%dma_wait3A_64 : memref<128x128xf32, #tpu.memory_space<hbm>>)
      tpu.yield
    }) : () -> ()
    %dma_wait3A_47 = arith.constant 0 : i32
    %dma_wait3A_48 = arith.constant 0 : i32
    %dma_wait3A_49 = tpu.memref_slice %arg2[%dma_wait3A_47, %dma_wait3A_48] : memref<1024x128xf32, #tpu.memory_space<hbm>> -> memref<1024x128xf32, #tpu.memory_space<hbm>>
    tpu.wait_indirect_dma semaphore(%arg16 : memref<!tpu.dma_semaphore, #tpu.memory_space<semaphore_mem>>) src(%dma_wait3A_49 : memref<1024x128xf32, #tpu.memory_space<hbm>>) dst(%arg11 : memref<128x128xf32, #tpu.memory_space<vmem>>)
    %add3A_50 = arith.constant 256 : i32
    %add3A_51 = arith.addi %mul3A_2, %add3A_50 : i32
    "tpu.region"() ({
      %run_scoped3A = tpu.sem_alloc : memref<!tpu.dma_semaphore, #tpu.memory_space<semaphore_mem>>
      %dma_start3A_57 = arith.constant 0 : i32
      %dma_start3A_58 = tpu.memref_slice %arg4[%add3A_51, %dma_start3A_57] : memref<16384x128xf32, #tpu.memory_space<hbm>> -> memref<128x128xf32, #tpu.memory_space<hbm>>
      %dma_start3A_59 = arith.constant 0 : i32
      %dma_start3A_60 = tpu.memref_slice %arg4[%add3A_51, %dma_start3A_59] : memref<16384x128xf32, #tpu.memory_space<hbm>> -> memref<128x128xf32, #tpu.memory_space<hbm>>
      tpu.enqueue_dma source(%arg11 : memref<128x128xf32, #tpu.memory_space<vmem>>) target(%dma_start3A_60 : memref<128x128xf32, #tpu.memory_space<hbm>>) target_semaphore(%run_scoped3A : memref<!tpu.dma_semaphore, #tpu.memory_space<semaphore_mem>>)
      %dma_wait3A_61 = arith.constant 0 : i32
      %dma_wait3A_62 = tpu.memref_slice %arg4[%add3A_51, %dma_wait3A_61] : memref<16384x128xf32, #tpu.memory_space<hbm>> -> memref<128x128xf32, #tpu.memory_space<hbm>>
      %dma_wait3A_63 = arith.constant 0 : i32
      %dma_wait3A_64 = tpu.memref_slice %arg4[%add3A_51, %dma_wait3A_63] : memref<16384x128xf32, #tpu.memory_space<hbm>> -> memref<128x128xf32, #tpu.memory_space<hbm>>
      tpu.wait_dma2 semaphore(%run_scoped3A : memref<!tpu.dma_semaphore, #tpu.memory_space<semaphore_mem>>) src(%arg11 : memref<128x128xf32, #tpu.memory_space<vmem>>) dst(%dma_wait3A_64 : memref<128x128xf32, #tpu.memory_space<hbm>>)
      tpu.yield
    }) : () -> ()
    %dma_wait3A_52 = arith.constant 0 : i32
    %dma_wait3A_53 = arith.constant 0 : i32
    %dma_wait3A_54 = tpu.memref_slice %arg2[%dma_wait3A_52, %dma_wait3A_53] : memref<1024x128xf32, #tpu.memory_space<hbm>> -> memref<1024x128xf32, #tpu.memory_space<hbm>>
    tpu.wait_indirect_dma semaphore(%arg17 : memref<!tpu.dma_semaphore, #tpu.memory_space<semaphore_mem>>) src(%dma_wait3A_54 : memref<1024x128xf32, #tpu.memory_space<hbm>>) dst(%arg12 : memref<128x128xf32, #tpu.memory_space<vmem>>)
    %add3A_55 = arith.constant 384 : i32
    %add3A_56 = arith.addi %mul3A_2, %add3A_55 : i32
    "tpu.region"() ({
      %run_scoped3A = tpu.sem_alloc : memref<!tpu.dma_semaphore, #tpu.memory_space<semaphore_mem>>
      %dma_start3A_57 = arith.constant 0 : i32
      %dma_start3A_58 = tpu.memref_slice %arg4[%add3A_56, %dma_start3A_57] : memref<16384x128xf32, #tpu.memory_space<hbm>> -> memref<128x128xf32, #tpu.memory_space<hbm>>
      %dma_start3A_59 = arith.constant 0 : i32
      %dma_start3A_60 = tpu.memref_slice %arg4[%add3A_56, %dma_start3A_59] : memref<16384x128xf32, #tpu.memory_space<hbm>> -> memref<128x128xf32, #tpu.memory_space<hbm>>
      tpu.enqueue_dma source(%arg12 : memref<128x128xf32, #tpu.memory_space<vmem>>) target(%dma_start3A_60 : memref<128x128xf32, #tpu.memory_space<hbm>>) target_semaphore(%run_scoped3A : memref<!tpu.dma_semaphore, #tpu.memory_space<semaphore_mem>>)
      %dma_wait3A_61 = arith.constant 0 : i32
      %dma_wait3A_62 = tpu.memref_slice %arg4[%add3A_56, %dma_wait3A_61] : memref<16384x128xf32, #tpu.memory_space<hbm>> -> memref<128x128xf32, #tpu.memory_space<hbm>>
      %dma_wait3A_63 = arith.constant 0 : i32
      %dma_wait3A_64 = tpu.memref_slice %arg4[%add3A_56, %dma_wait3A_63] : memref<16384x128xf32, #tpu.memory_space<hbm>> -> memref<128x128xf32, #tpu.memory_space<hbm>>
      tpu.wait_dma2 semaphore(%run_scoped3A : memref<!tpu.dma_semaphore, #tpu.memory_space<semaphore_mem>>) src(%arg12 : memref<128x128xf32, #tpu.memory_space<vmem>>) dst(%dma_wait3A_64 : memref<128x128xf32, #tpu.memory_space<hbm>>)
      tpu.yield
    }) : () -> ()
    return
  }
}

module attributes {stable_mosaic.version = 14 : i64} {
  func.func @_distance_argmin_body(%arg0: i32, %arg1: memref<4096x64xf32, #tpu.memory_space<vmem>>, %arg2: memref<1024x64xf32, #tpu.memory_space<vmem>>, %arg3: memref<4096xi32, #tpu.memory_space<vmem>>, %arg4: memref<1x1xf32, #tpu.memory_space<smem>>) attributes {dimension_semantics = [#tpu.dimension_semantics<arbitrary>], iteration_bounds = array<i64: 4>, scalar_prefetch = 0 : i64, scratch_operands = 0 : i64, tpu.core_type = #tpu.core_type<tc>, window_params = [{transform_indices = @transform_0, window_bounds = array<i64: 4096, 64>}, {pipeline_mode = #tpu.pipeline_mode<synchronous>, transform_indices = @transform_1, window_bounds = array<i64: 1024, 64>}, {transform_indices = @transform_2, window_bounds = array<i64: 4096>}, {transform_indices = @transform_3, window_bounds = array<i64: 1, 1>}]} {
    %get3A = arith.constant 0 : index
    %get3A_0 = arith.constant 0 : index
    %get3A_1 = vector.load %arg1[%get3A, %get3A_0] : memref<4096x64xf32, #tpu.memory_space<vmem>>, vector<4096x64xf32>
    %get3A_2 = arith.constant 0 : index
    %get3A_3 = arith.constant 0 : index
    %get3A_4 = vector.load %arg2[%get3A_2, %get3A_3] : memref<1024x64xf32, #tpu.memory_space<vmem>>, vector<1024x64xf32>
    %mul3A = arith.mulf %get3A_1, %get3A_1 : vector<4096x64xf32>
    %reduce_sum3A = arith.constant dense<0.000000e+00> : vector<4096xf32>
    %reduce_sum3A_5 = vector.multi_reduction <add>, %mul3A, %reduce_sum3A [1] : vector<4096x64xf32> to vector<4096xf32>
    %broadcast_in_dim3A = vector.shape_cast %reduce_sum3A_5 : vector<4096xf32> to vector<4096x1xf32>
    %transpose3A = tpu.transpose %broadcast_in_dim3A, [1, 0] : vector<4096x1xf32> -> vector<1x4096xf32>
    %mul3A_6 = arith.mulf %get3A_4, %get3A_4 : vector<1024x64xf32>
    %reduce_sum3A_7 = arith.constant dense<0.000000e+00> : vector<1024xf32>
    %reduce_sum3A_8 = vector.multi_reduction <add>, %mul3A_6, %reduce_sum3A_7 [1] : vector<1024x64xf32> to vector<1024xf32>
    %broadcast_in_dim3A_9 = vector.shape_cast %reduce_sum3A_8 : vector<1024xf32> to vector<1024x1xf32>
    %dot_general3A = arith.constant dense<0.000000e+00> : vector<1024x4096xf32>
    %dot_general3A_10 = tpu.matmul %get3A_4, %get3A_1, %dot_general3A {dimension_numbers = #tpu.dot_dimension_numbers<[1], [1], [0], [0], [0, 0, 1, 0], [], []>, transpose_lhs_hint = false} : vector<1024x64xf32>, vector<4096x64xf32>, vector<1024x4096xf32> -> vector<1024x4096xf32>
    %add3A = vector.broadcast %transpose3A : vector<1x4096xf32> to vector<1024x4096xf32>
    %add3A_11 = vector.broadcast %broadcast_in_dim3A_9 : vector<1024x1xf32> to vector<1024x4096xf32>
    %add3A_12 = arith.addf %add3A, %add3A_11 : vector<1024x4096xf32>
    %mul3A_13 = arith.constant 2.000000e+00 : f32
    %mul3A_14 = vector.broadcast %mul3A_13 : f32 to vector<1024x4096xf32>
    %mul3A_15 = arith.mulf %mul3A_14, %dot_general3A_10 : vector<1024x4096xf32>
    %sub3A = arith.subf %add3A_12, %mul3A_15 : vector<1024x4096xf32>
    %reduce_min3A = arith.constant dense<0x7F800000> : vector<4096xf32>
    %reduce_min3A_16 = vector.multi_reduction <minimumf>, %sub3A, %reduce_min3A [0] : vector<1024x4096xf32> to vector<4096xf32>
    %broadcast_in_dim3A_17 = vector.shape_cast %reduce_min3A_16 : vector<4096xf32> to vector<1x4096xf32>
    %iota3A = tpu.iota {dimensions = array<i32: 0>} : vector<1024x4096xi32>
    %eq3A = vector.broadcast %broadcast_in_dim3A_17 : vector<1x4096xf32> to vector<1024x4096xf32>
    %eq3A_18 = arith.cmpf oeq, %sub3A, %eq3A : vector<1024x4096xf32>
    %jit3A = arith.constant 1024 : i32
    %broadcast_in_dim3A_19 = vector.broadcast %jit3A : i32 to vector<1024x4096xi32>
    %select_n3A = arith.select %eq3A_18, %iota3A, %broadcast_in_dim3A_19 : vector<1024x4096xi1>, vector<1024x4096xi32>
    %reduce_min3A_20 = arith.constant dense<2147483647> : vector<4096xi32>
    %reduce_min3A_21 = vector.multi_reduction <minsi>, %select_n3A, %reduce_min3A_20 [0] : vector<1024x4096xi32> to vector<4096xi32>
    %swap3A = arith.constant 0 : index
    %swap3A_22 = vector.load %arg3[%swap3A] : memref<4096xi32, #tpu.memory_space<vmem>>, vector<4096xi32>
    tpu.vector_store %arg3[%swap3A], %reduce_min3A_21 {strides = array<i32>} : memref<4096xi32, #tpu.memory_space<vmem>>, vector<4096xi32>,
    %eq3A_23 = arith.constant 0 : i32
    %eq3A_24 = arith.cmpi eq, %arg0, %eq3A_23 : i32
    %convert_element_type3A = arith.extui %eq3A_24 : i1 to i32
    %cond3A = arith.constant 0 : i32
    %cond3A_25 = arith.cmpi ne, %convert_element_type3A, %cond3A : i32
    scf.if %cond3A_25 {
      %swap3A_43 = arith.constant 0.000000e+00 : f32
      %swap3A_44 = arith.constant 0 : index
      %swap3A_45 = arith.constant 0 : index
      %swap3A_46 = memref.load %arg4[%swap3A_44, %swap3A_45] : memref<1x1xf32, #tpu.memory_space<smem>>
      memref.store %swap3A_43, %arg4[%swap3A_44, %swap3A_45] : memref<1x1xf32, #tpu.memory_space<smem>>
    } else {
    }
    %get3A_26 = arith.constant 0 : index
    %get3A_27 = arith.constant 0 : index
    %get3A_28 = memref.load %arg4[%get3A_26, %get3A_27] : memref<1x1xf32, #tpu.memory_space<smem>>
    %reduce_sum3A_29 = vector.shape_cast %broadcast_in_dim3A_17 : vector<1x4096xf32> to vector<1x1x4096xf32>
    %reduce_sum3A_30 = arith.constant dense<0.000000e+00> : vector<1xf32>
    %reduce_sum3A_31 = vector.multi_reduction <add>, %reduce_sum3A_29, %reduce_sum3A_30 [1, 2] : vector<1x1x4096xf32> to vector<1xf32>
    %reduce_sum3A_32 = vector.shape_cast %reduce_sum3A_31 : vector<1xf32> to vector<1x1x1xf32>
    %reduce_sum3A_33 = vector.extract %reduce_sum3A_32[0, 0, 0] : f32 from vector<1x1x1xf32>
    %add3A_34 = arith.addf %get3A_28, %reduce_sum3A_33 : f32
    %swap3A_35 = arith.constant 0 : index
    %swap3A_36 = arith.constant 0 : index
    %swap3A_37 = memref.load %arg4[%swap3A_35, %swap3A_36] : memref<1x1xf32, #tpu.memory_space<smem>>
    memref.store %add3A_34, %arg4[%swap3A_35, %swap3A_36] : memref<1x1xf32, #tpu.memory_space<smem>>
    %eq3A_38 = arith.constant 3 : i32
    %eq3A_39 = arith.cmpi eq, %arg0, %eq3A_38 : i32
    %convert_element_type3A_40 = arith.extui %eq3A_39 : i1 to i32
    %cond3A_41 = arith.constant 0 : i32
    %cond3A_42 = arith.cmpi ne, %convert_element_type3A_40, %cond3A_41 : i32
    scf.if %cond3A_42 {
      %get3A_43 = arith.constant 0 : index
      %get3A_44 = arith.constant 0 : index
      %get3A_45 = memref.load %arg4[%get3A_43, %get3A_44] : memref<1x1xf32, #tpu.memory_space<smem>>
      %mul3A_46 = arith.constant 1.1920929E-6 : f32
      %mul3A_47 = arith.mulf %get3A_45, %mul3A_46 : f32
      %swap3A_48 = arith.constant 0 : index
      %swap3A_49 = arith.constant 0 : index
      %swap3A_50 = memref.load %arg4[%swap3A_48, %swap3A_49] : memref<1x1xf32, #tpu.memory_space<smem>>
      memref.store %mul3A_47, %arg4[%swap3A_48, %swap3A_49] : memref<1x1xf32, #tpu.memory_space<smem>>
    } else {
    }
    return
  }
  func.func @transform_0(%arg0: i32) -> (i32, i32) {
    %c0_i32 = arith.constant 0 : i32
    %c0_i32_0 = arith.constant 0 : i32
    return %arg0, %c0_i32 : i32, i32
  }
  func.func @transform_1(%arg0: i32) -> (i32, i32) {
    %c0_i32 = arith.constant 0 : i32
    %c0_i32_0 = arith.constant 0 : i32
    %c0_i32_1 = arith.constant 0 : i32
    return %c0_i32, %c0_i32_0 : i32, i32
  }
  func.func @transform_2(%arg0: i32) -> i32 {
    %c0_i32 = arith.constant 0 : i32
    return %arg0 : i32
  }
  func.func @transform_3(%arg0: i32) -> (i32, i32) {
    %c0_i32 = arith.constant 0 : i32
    %c0_i32_0 = arith.constant 0 : i32
    %c0_i32_1 = arith.constant 0 : i32
    return %c0_i32, %c0_i32_0 : i32, i32
  }
}

</mosaic_0001>

<sc_bundles>
// kernel: kernel.4.cloned.1.call-start
scs
__scs_entry_jumppad:
0x0: {  	(pc) =	sbr.rel $0x88, $3  }
0x1: {  	(tag) =	ssettag $0x0;
	lr =	simm.s32 $0x1  }
0x2: {  	[smem:$0x3F9F] =	sst lr;
	_ =	strace $0xD0000000  }
0x3: {  	_ = 	snop  }
0x4: {  	_ = 	snop  }
0x5: {  	_ = 	snop  }
0x6: {  	_ = 	snop  }
0x7: {  	_ = 	snop  }
__scs_overlays_trampoline_lowered:
0x8: {  	[smem:$0x3FAE] =	sst s0  }
0x9: {  	[smem:$0x3FAF] =	sst s1  }
0xa: {  	[smem:$0x3FB0] =	sst s2  }
0xb: {  	[smem:$0x3FB1] =	sst s3  }
0xc: {  	[smem:$0x3FB2] =	sst s4  }
0xd: {  	[smem:$0x3FB3] =	sst s5  }
0xe: {  	[smem:$0x3FB4] =	sst s6  }
0xf: {  	[smem:$0x3FB5] =	sst s7  }
0x10: {  	[smem:$0x3FB6] =	sst s8  }
0x11: {  	[smem:$0x3FB7] =	sst s9;
	s0 =	simm.s32 @!p0 $0x0  }
0x12: {  	s1 =	sld [smem:$0x3F9D];
	s0 =	simm.s32 @p0 $0x1  }
0x13: {  	[smem:$0x3FB8] =	sst s0;
	s0 =	simm.s32 @!p1 $0x0  }
0x14: {  	s2 =	sld [smem:$0x3F9C];
	s0 =	simm.s32 @p1 $0x1  }
0x15: {  	[smem:$0x3FB9] =	sst s0;
	s0 =	simm.s32 @!p2 $0x0  }
0x16: {  	s3 =	sld [smem:$0x3FDB];
	s0 =	simm.s32 @p2 $0x1  }
0x17: {  	s4 =	simm.s32 $0x1BF5;
	[smem:$0x3FBB] =	sst s0  }
0x18: {  	s0 =	sld [smem:$0x3F9E];
	_ =	swait.ge [sflag:s4], $0x0  }
0x19: {  	s7 =	sld [smem:$0x3F9F]  }
0x1a: {  	s8 =	sadd.s32 $0xFFFFE003, lr  }
0x1b: {  	s9 =	sadd.s32 $0xFFFFFEF7, lr;
	s5 =	simm.s32 $0xFFFFFFFF;
	p2 =	slt.u32 s8, $0xFFFFF086  }
0x1c: {  	p1 =	slt.u32 s9, $0xF7A;
	s5 =	simm.s32 @!p2 $0x0  }
0x1d: {  	s5 =	simm.s32 @p1 $0x1;
	p0 =	seq.s32 s7, s2  }
0x1e: {  	s7 =	smul.u32 @!p0 $0xF7A, s2;
	p2 =	seq.s32 @!p0 s5, $0x0  }
0x1f: {  	s9 =	smul.u32 $0xF7A, s1;
	s8 =	simm.s32 @!p0 $0x1BF5;
	p2 =	por !p2, p0  }
0x20: {  	[sflag:s8] =	ssyncset.s32 @!p0 $0xFFFFF086;
	s6 =	sadd.s32 @!p0 s3, s7;
	s7 =	simm.s32 @!p0 $0x108  }
0x21: {  	s3 =	sadd.s32 s3, s9;
	s6 =	sadd.s32 @!p0 $0x88, s6;
	s7 =	simm.s32 @p2 $0x1082  }
0x22: {  	[simem:s7], [sflag:s8] =	dma.local @!p0 [hbm:s6], $0xF7A  }
0x23: {  	s9 =	sor.u32 $0xD0000000, s2;
	s6 =	simm.s32 $0x108;
	_ =	swait.ge @!p0 [sflag:s8], $0x0  }
0x24: {  	s3 =	sadd.s32 $0x88, s3;
	s6 =	simm.s32 @!p1 $0x1082;
	[sflag:s4] =	ssyncset.s32 $0xFFFFF086  }
0x25: {  	[simem:s6], [sflag:s4] =	dma.local [hbm:s3], $0xF7A  }
0x26: {  	[smem:$0x3F9F] =	sst s1;
	(tag) =	ssettag s2;
	_ =	strace s9  }
0x27: {  	s1 =	sld [smem:$0x3FAF]  }
0x28: {  	s2 =	sld [smem:$0x3FB0]  }
0x29: {  	s4 =	sld [smem:$0x3FB2]  }
0x2a: {  	p0 =	seq.s32 s5, $0x0;
	s5 =	sld [smem:$0x3FB3]  }
0x2b: {  	s6 =	sld [smem:$0x3FB4]  }
0x2c: {  	s7 =	sld [smem:$0x3FB5]  }
0x2d: {  	s3 =	simm.s32 $0x108;
	s8 =	sld [smem:$0x3FB6]  }
0x2e: {  	s3 =	simm.s32 @!p0 $0x1082;
	s9 =	sld [smem:$0x3FB7]  }
0x2f: {  	lr =	sadd.s32 s0, s3;
	s0 =	sld [smem:$0x3FAE]  }
0x30: {  	s3 =	sld [smem:$0x3FB1]  }
0x31: {  	[smem:$0x3FBA] =	sst s10  }
0x32: {  	s10 =	sld [smem:$0x3FB8];
	_ =	sdelay $0x3  }
0x33: {  	p0 =	seq.s32 s10, $0x1;
	s10 =	sld [smem:$0x3FBA];
	_ =	sdelay $0x3  }
0x34: {  	[smem:$0x3FBA] =	sst s10  }
0x35: {  	s10 =	sld [smem:$0x3FB9];
	_ =	sdelay $0x3  }
0x36: {  	p1 =	seq.s32 s10, $0x1;
	s10 =	sld [smem:$0x3FBA];
	_ =	sdelay $0x3  }
0x37: {  	[smem:$0x3FBA] =	sst s10  }
0x38: {  	s10 =	sld [smem:$0x3FBB]  }
0x39: {  	_ = 	snop;
	(pc) =	sbr.ind lr, $3  }
0x3a: {  	_ = 	snop  }
0x3b: {  	_ = 	snop  }
0x3c: {  	p2 =	seq.s32 s10, $0x1;
	s10 =	sld [smem:$0x3FBA]  }
0x3d: {  	_ =	shalt  }
0x3e: {  	_ =	shalt  }
0x3f: {  	_ =	shalt  }
0x40: {  	_ =	shalt  }
0x41: {  	_ =	shalt  }
0x42: {  	_ =	shalt  }
0x43: {  	_ =	shalt  }
0x44: {  	_ =	shalt  }
0x45: {  	_ =	shalt  }
0x46: {  	_ =	shalt  }
0x47: {  	_ =	shalt  }
0x48: {  	_ =	shalt  }
0x49: {  	_ =	shalt  }
0x4a: {  	_ =	shalt  }
0x4b: {  	_ =	shalt  }
0x4c: {  	_ =	shalt  }
0x4d: {  	_ =	shalt  }
0x4e: {  	_ =	shalt  }
0x4f: {  	_ =	shalt  }
0x50: {  	_ =	shalt  }
0x51: {  	_ =	shalt  }
0x52: {  	_ =	shalt  }
0x53: {  	_ =	shalt  }
0x54: {  	_ =	shalt  }
0x55: {  	_ =	shalt  }
0x56: {  	_ =	shalt  }
0x57: {  	_ =	shalt  }
0x58: {  	_ =	shalt  }
0x59: {  	_ =	shalt  }
0x5a: {  	_ =	shalt  }
0x5b: {  	_ =	shalt  }
0x5c: {  	_ =	shalt  }
0x5d: {  	_ =	shalt  }
0x5e: {  	_ =	shalt  }
0x5f: {  	_ =	shalt  }
0x60: {  	_ =	shalt  }
0x61: {  	_ =	shalt  }
0x62: {  	_ =	shalt  }
0x63: {  	_ =	shalt  }
0x64: {  	_ =	shalt  }
0x65: {  	_ =	shalt  }
0x66: {  	_ =	shalt  }
0x67: {  	_ =	shalt  }
0x68: {  	_ =	shalt  }
0x69: {  	_ =	shalt  }
0x6a: {  	_ =	shalt  }
0x6b: {  	_ =	shalt  }
0x6c: {  	_ =	shalt  }
0x6d: {  	_ =	shalt  }
0x6e: {  	_ =	shalt  }
0x6f: {  	_ =	shalt  }
0x70: {  	_ =	shalt  }
0x71: {  	_ =	shalt  }
0x72: {  	_ =	shalt  }
0x73: {  	_ =	shalt  }
0x74: {  	_ =	shalt  }
0x75: {  	_ =	shalt  }
0x76: {  	_ =	shalt  }
0x77: {  	_ =	shalt  }
0x78: {  	_ =	shalt  }
0x79: {  	_ =	shalt  }
0x7a: {  	_ =	shalt  }
0x7b: {  	_ =	shalt  }
0x7c: {  	_ =	shalt  }
0x7d: {  	_ =	shalt  }
0x7e: {  	_ =	shalt  }
0x7f: {  	_ =	shalt  }
0x80: {  	_ =	shalt  }
0x81: {  	_ =	shalt  }
0x82: {  	_ =	shalt  }
0x83: {  	_ =	shalt  }
0x84: {  	_ =	shalt  }
0x85: {  	_ =	shalt  }
0x86: {  	_ =	shalt  }
0x87: {  	_ =	shalt  }
.Lfunc_end0:
.L_simem_size_0:
called_computation_lowered:
.L_overlay_start_0:
0x88: {  	s2 =	sld [smem:$0x3FD9]  }
0x89: {  	s3 =	sld [smem:$0x3FFE];
	_ =	sdelay $0x1  }
0x8a: {  	s1 =	srdreg.scid  }
0x8b: {  	s0 =	sand.u32 $0x1, s1  }
0x8c: {  	s14 =	sshll.u32 s0, $0xA;
	s2 =	sadd.s32 s3, s2  }
0x8d: {  	s2 =	sadd.s32 s2, s14  }
0x8e: {  	[smem:$0x3FC6] =	sst s2  }
0x8f: {  	_ = 	snop  }
0x90: {  	s2 =	sld [smem:$0x3FD0];
	_ =	sdelay $0x2  }
0x91: {  	s15 =	simm.s32 $0xA;
	s4 =	simm.s32 $0x10  }
0x92: {  	[smem:s4], [sflag:s15] =	dma.local [hbm:s2], $0x1  }
0x93: {  	_ =	swait.eq [sflag:s15], $0x1  }
0x94: {  	[sflag:s15] =	ssyncset.done $0x0  }
0x95: {  	s16 =	sld [smem:$0x10];
	[sflag:s15] =	ssyncadd.s32 $0xFFFFFFFF  }
0x96: {  	s17 =	sld [smem:$0x11];
	(tm) =	ssettm $0x1  }
0x97: {  	s18 =	sld [smem:$0x3FFB];
	_ =	sdelay $0x3  }
0x98: {  	_ =	strace s18  }
0x99: {  	s4 =	sld [smem:$0x3FFC];
	_ =	sdelay $0x3  }
0x9a: {  	_ =	strace s4  }
0x9b: {  	s4 =	sld [smem:$0x3FFD];
	_ =	sdelay $0x3  }
0x9c: {  	_ =	strace s4  }
0x9d: {  	_ =	strace $0x8FFFFFFF  }
0x9e: {  	s19 =	sld [smem:$0x3FDB];
	_ =	sdelay $0x1  }
0x9f: {  	s5 =	simm.s32 $_scs_section_size  }
0xa0: {  	s6 =	simm.s32 $_size__tile_overlayer_lowered;
	s7 =	simm.s32 $_tile_overlayer_lowered  }
0xa1: {  	s22 =	simm.s32 $0x1BFF;
	s21 =	sshll.u32 s7, $0x1;
	s4 =	sadd.s32 s5, s19  }
0xa2: {  	s8 =	simm.s32 $0x0;
	s20 =	sshll.u32 s6, $0x1;
	s6 =	sadd.s32 s21, s4  }
0xa3: {  	[timem:s8], [sflag:s22] =	dma.local [hbm:s6], s20  }
0xa4: {  	_ =	swait.ge [sflag:s22], s20  }
0xa5: {  	s5 =	ssub.s32 $0x0, s20;
	[sflag:s22] =	ssyncset.done $0x0  }
0xa6: {  	[sflag:s22] =	ssyncadd.s32 s5;
	_ =	sdelay $0x1  }
0xa7: {  	s23 =	simm.s32 $0x1B8B  }
0xa8: {  	_ =	swait.ge [sflag:s23], $0x1  }
0xa9: {  	[sflag:s23] =	ssyncset.done $0x0  }
0xaa: {  	s25 =	simm.s32 $0x1B8E;
	s24 =	sld [smem:$0x3FFE];
	[sflag:s23] =	ssyncadd.s32 $0xFFFFFFFF  }
0xab: {  	s26 =	simm.s32 $execute0_lowered;
	[smem:$0x3FD2] =	sst s25  }
0xac: {  	s6 =	sshll.u32 s26, $0x1;
	_ =	strace $0x80000046;
	[dreg:$0x1] =	wrdreg $0xFFFFFFFF  }
0xad: {  	s28 =	simm.s32 $_size_execute0_lowered;
	s4 =	sadd.s32 s4, s6;
	[dreg:$0x0] =	wrdreg $0x0  }
0xae: {  	s6 =	sshll.u32 s28, $0x1;
	[dreg:$0x2] =	wrdreg s4  }
0xaf: {  	[dreg:$0x3] =	wrdreg s6  }
0xb0: {  	[dreg:$0x4] =	wrdreg $0xC0  }
0xb1: {  	_ =	task [dreg:s8], $0x5FFFF  }
0xb2: {  	[dreg:$0x1] =	wrdreg $0xFFFFFFFF  }
0xb3: {  	[dreg:$0x0] =	wrdreg $0x60  }
0xb4: {  	[dreg:$0x2] =	wrdreg s17  }
0xb5: {  	[dreg:$0x3] =	wrdreg s16  }
0xb6: {  	[dreg:$0x4] =	wrdreg s24  }
0xb7: {  	[dreg:$0x5] =	wrdreg $0x9  }
0xb8: {  	_ =	task.clear_ibuf [dreg:s8], $0x6FFFF;
	_ =	strace $0x90000046  }
0xb9: {  	s29 =	simm.s32 $0x9;
	_ =	strace $0x80000048  }
0xba: {  	_ =	swait.ge [sflag:s29], $0x1  }
0xbb: {  	[sflag:s29] =	ssyncadd.s32 $0xFFFFFFFF  }
0xbc: {  	_ =	strace $0x90000048  }
0xbd: {  	_ =	sfence  }
0xbe: {  	s30 =	sld [smem:$0x0];
	_ =	sdelay $0x2  }
0xbf: {  	s31 =	sshll.u32 s1, $0xD;
	s1 =	sshrl.u32 s1, $0x2  }
0xc0: {  	s3 =	sand.u32 $0x4000, s31;
	s1 =	sadd.s32 s1, s30  }
0xc1: {  	s0 =	sor.u32 s3, s0;
	s1 =	sshll.u32 s1, $0x11  }
0xc2: {  	s0 =	sor.u32 s1, s0  }
0xc3: {  	s0 =	sadd.s32 $0x8F2B, s0  }
0xc4: {  	[sflag:s0] =	ssyncadd.remote.s32 $0x1  }
0xc5: {  	_ =	sfence.sel $0xFFFF  }
0xc6: {  	[dreg:$0x0] =	wrdreg $0xFFFFFFFF;
	(pc) =	sbr.abs _section_cstart, $3  }
0xc7: {  	[dreg:$0x1] =	wrdreg $0xFFFFFFFF  }
0xc8: {  	_ =	task.clear_ibuf [dreg:s8], $0x2FFFF;
	_ =	strace $0x9FFFFFFF  }
0xc9: {  	(tm) =	ssettm $0x7FFFFFFF  }
tec
execute0_lowered:
.L_overlay_start_1:
0x0: {  	(tag) =	ssettag $0x1  }
0x1: {  	s1 =	rddreg [dreg:$0x0];
	s2 =	srdreg.scid  }
0x2: {  	s9 =	rddreg [dreg:$0x1];
	s0 =	stileid.u32  }
0x3: {  	s17 =	rddreg [dreg:$0x2];
	s3 =	simm.s32 $0x0;
	s23 =	sand.u32 $0x1, s2  }
0x4: {  	s4 =	sshll.u32 s0, $0xA;
	s2 =	rddreg [dreg:$0x3];
	s5 =	sshll.u32 s23, $0x9  }
0x5: {  	s6 =	simm.s32 $0x80;
	[smem:$0x7FF] =	sst s3;
	s18 =	sor.u32 s5, s4  }
0x6: {  	_ =	strace $0x80000047;
	s20 =	sor.u32 $0x80, s18;
	s4 =	sshrl.u32 s18, $0x3  }
0x7: {  	s22 =	sor.u32 $0x100, s18;
	s29 =	sshrl.u32 s20, $0x3;
	s4 =	sadd.s32 s9, s4  }
0x8: {  	[tilespmem:s3], [sflag:$0x1] =	stream.linear.gather [hbm4b:s4+s3], $0x80, $0x38;
	[tilespmem:$0x10200] =	vst v63  }
0x9: {  	s24 =	sor.u32 $0x180, s18;
	s7 =	sshrl.u32 s22, $0x3;
	s5 =	sadd.s32 s9, s29  }
0xa: {  	[tilespmem:s6], [sflag:$0x1] =	stream.linear.gather [hbm4b:s5+s3], $0x80, $0x38;
	[tilespmem:$0x10200] =	vst v63  }
0xb: {  	s8 =	simm.s32 $0x100;
	s10 =	sshrl.u32 s24, $0x3;
	s7 =	sadd.s32 s9, s7  }
0xc: {  	[tilespmem:s8], [sflag:$0x1] =	stream.linear.gather [hbm4b:s7+s3], $0x80, $0x38;
	[tilespmem:$0x10200] =	vst v63  }
0xd: {  	s11 =	simm.s32 $0x1;
	s9 =	sadd.s32 s9, s10;
	s10 =	simm.s32 $0x180  }
0xe: {  	[tilespmem:s10], [sflag:$0x1] =	stream.linear.gather [hbm4b:s9+s3], $0x80, $0x38;
	[tilespmem:$0x10200] =	vst v63  }
0xf: {  	_ =	swait.ge [sflag:s11], $0x80  }
0x10: {  	[sflag:s11] =	ssyncset.done $0x0  }
0x11: {  	[sflag:s11] =	ssyncadd.s32 $0xFFFFFF80  }
0x12: {  	_ =	swait.ge [sflag:s11], $0x80  }
0x13: {  	[sflag:s11] =	ssyncset.done $0x0  }
0x14: {  	[sflag:s11] =	ssyncadd.s32 $0xFFFFFF80  }
0x15: {  	_ =	swait.ge [sflag:s11], $0x80  }
0x16: {  	[sflag:s11] =	ssyncset.done $0x0  }
0x17: {  	[sflag:s11] =	ssyncadd.s32 $0xFFFFFF80  }
0x18: {  	_ =	swait.ge [sflag:s11], $0x80  }
0x19: {  	[sflag:s11] =	ssyncset.done $0x0  }
0x1a: {  	s12 =	simm.s32 $0x200;
	[sflag:s11] =	ssyncadd.s32 $0xFFFFFF80  }
0x1b: {  	[tilespmem:s12], [sflag:$0x2] =	stream.indirect.gather [hbm4b:s1+s6], $0x80, s3, s6, $0xb8;
	[tilespmem:$0x10200] =	vst v63  }
0x1c: {  	s13 =	simm.s32 $0x4200  }
0x1d: {  	[tilespmem:s13], [sflag:$0x3] =	stream.indirect.gather [hbm4b:s1+s6], $0x80, s6, s6, $0xb8;
	[tilespmem:$0x10200] =	vst v63  }
0x1e: {  	s14 =	simm.s32 $0x8200  }
0x1f: {  	[tilespmem:s14], [sflag:$0x4] =	stream.indirect.gather [hbm4b:s1+s6], $0x80, s8, s6, $0xb8;
	[tilespmem:$0x10200] =	vst v63  }
0x20: {  	s15 =	simm.s32 $0xC200;
	s16 =	simm.s32 $0x2  }
0x21: {  	[tilespmem:s15], [sflag:$0x5] =	stream.indirect.gather [hbm4b:s1+s6], $0x80, s10, s6, $0xb8;
	[tilespmem:$0x10200] =	vst v63  }
0x22: {  	_ =	swait.ge [sflag:s16], $0x4000  }
0x23: {  	s25 =	sadd.s32 $0x600, s17;
	s30 =	sshll.u32 s18, $0x4;
	[sflag:s16] =	ssyncset.done $0x0  }
0x24: {  	s17 =	simm.s32 $0x6;
	s18 =	sadd.s32 s25, s30;
	[sflag:s16] =	ssyncadd.s32 $0xFFFFC000  }
0x25: {  	[hbm4b:s18+s3] =	stream.linear.scatter [tilespmem:s12], [sflag:$0x6], $0x4000, $0x38;
	[tilespmem:$0x10200] =	vst v63  }
0x26: {  	_ =	swait.ge [sflag:s17], $0x4000  }
0x27: {  	[sflag:s17] =	ssyncset.done $0x0  }
0x28: {  	s19 =	simm.s32 $0x3;
	[sflag:s17] =	ssyncadd.s32 $0xFFFFC000  }
0x29: {  	_ =	swait.ge [sflag:s19], $0x4000  }
0x2a: {  	s20 =	sshll.u32 s20, $0x4;
	[sflag:s19] =	ssyncset.done $0x0  }
0x2b: {  	s20 =	sadd.s32 s25, s20;
	[sflag:s19] =	ssyncadd.s32 $0xFFFFC000  }
0x2c: {  	[hbm4b:s20+s3] =	stream.linear.scatter [tilespmem:s13], [sflag:$0x6], $0x4000, $0x38;
	[tilespmem:$0x10200] =	vst v63  }
0x2d: {  	_ =	swait.ge [sflag:s17], $0x4000  }
0x2e: {  	[sflag:s17] =	ssyncset.done $0x0  }
0x2f: {  	s21 =	simm.s32 $0x4;
	[sflag:s17] =	ssyncadd.s32 $0xFFFFC000  }
0x30: {  	_ =	swait.ge [sflag:s21], $0x4000  }
0x31: {  	s22 =	sshll.u32 s22, $0x4;
	[sflag:s21] =	ssyncset.done $0x0  }
0x32: {  	s26 =	ssub.s32 $0x2, s23;
	s22 =	sadd.s32 s25, s22;
	[sflag:s21] =	ssyncadd.s32 $0xFFFFC000  }
0x33: {  	[hbm4b:s22+s3] =	stream.linear.scatter [tilespmem:s14], [sflag:$0x6], $0x4000, $0x38;
	[tilespmem:$0x10200] =	vst v63  }
0x34: {  	s28 =	sshrl.u32 s26, $0x1;
	_ =	swait.ge [sflag:s17], $0x4000  }
0x35: {  	s26 =	ssub.s32 s26, s28;
	[sflag:s17] =	ssyncset.done $0x0  }
0x36: {  	s23 =	simm.s32 $0x5;
	s31 =	smax.u32 s26, $0x1;
	[sflag:s17] =	ssyncadd.s32 $0xFFFFC000  }
0x37: {  	p0 =	sne.s32 s31, $0x1;
	_ =	swait.ge [sflag:s23], $0x4000  }
.Ltmp0:
0x38: {  	s24 =	sshll.u32 s24, $0x4;
	[sflag:s23] =	ssyncset.done $0x0;
	(pc) =	sbr.rel @!p0 .LBB2_2-.Ltmp0, $4  }
0x39: {  	s24 =	sadd.s32 s25, s24;
	[sflag:s23] =	ssyncadd.s32 $0xFFFFC000  }
0x3a: {  	[hbm4b:s24+s3] =	stream.linear.scatter [tilespmem:s15], [sflag:$0x6], $0x4000, $0x38;
	[tilespmem:$0x10200] =	vst v63  }
0x3b: {  	_ =	swait.ge [sflag:s17], $0x4000  }
0x3c: {  	s25 =	sadd.s32 $0xFFFFFFFF, s31;
	[sflag:s17] =	ssyncset.done $0x0  }
.LBB2_1:
0x3d: {  	p0 =	sne.s32 s25, $0x1;
	s25 =	sadd.s32 $0xFFFFFFFF, s25;
	[sflag:s17] =	ssyncadd.s32 $0xFFFFC000  }
0x3e: {  	[tilespmem:s3], [sflag:$0x1] =	stream.linear.gather [hbm4b:s4+s3], $0x80, $0x38;
	[tilespmem:$0x10200] =	vst v63  }
0x3f: {  	_ = 	snop  }
0x40: {  	[tilespmem:s6], [sflag:$0x1] =	stream.linear.gather [hbm4b:s5+s3], $0x80, $0x38;
	[tilespmem:$0x10200] =	vst v63  }
0x41: {  	_ = 	snop  }
0x42: {  	[tilespmem:s8], [sflag:$0x1] =	stream.linear.gather [hbm4b:s7+s3], $0x80, $0x38;
	[tilespmem:$0x10200] =	vst v63  }
0x43: {  	_ = 	snop  }
0x44: {  	[tilespmem:s10], [sflag:$0x1] =	stream.linear.gather [hbm4b:s9+s3], $0x80, $0x38;
	[tilespmem:$0x10200] =	vst v63  }
0x45: {  	_ =	swait.ge [sflag:s11], $0x80  }
0x46: {  	[sflag:s11] =	ssyncset.done $0x0  }
0x47: {  	[sflag:s11] =	ssyncadd.s32 $0xFFFFFF80  }
0x48: {  	_ =	swait.ge [sflag:s11], $0x80  }
0x49: {  	[sflag:s11] =	ssyncset.done $0x0  }
0x4a: {  	[sflag:s11] =	ssyncadd.s32 $0xFFFFFF80  }
0x4b: {  	_ =	swait.ge [sflag:s11], $0x80  }
0x4c: {  	[sflag:s11] =	ssyncset.done $0x0  }
0x4d: {  	[sflag:s11] =	ssyncadd.s32 $0xFFFFFF80  }
0x4e: {  	_ =	swait.ge [sflag:s11], $0x80  }
0x4f: {  	[sflag:s11] =	ssyncset.done $0x0  }
0x50: {  	[sflag:s11] =	ssyncadd.s32 $0xFFFFFF80  }
0x51: {  	[tilespmem:s12], [sflag:$0x2] =	stream.indirect.gather [hbm4b:s1+s6], $0x80, s3, s6, $0xb8;
	[tilespmem:$0x10200] =	vst v63  }
0x52: {  	_ = 	snop  }
0x53: {  	[tilespmem:s13], [sflag:$0x3] =	stream.indirect.gather [hbm4b:s1+s6], $0x80, s6, s6, $0xb8;
	[tilespmem:$0x10200] =	vst v63  }
0x54: {  	_ = 	snop  }
0x55: {  	[tilespmem:s14], [sflag:$0x4] =	stream.indirect.gather [hbm4b:s1+s6], $0x80, s8, s6, $0xb8;
	[tilespmem:$0x10200] =	vst v63  }
0x56: {  	_ = 	snop  }
0x57: {  	[tilespmem:s15], [sflag:$0x5] =	stream.indirect.gather [hbm4b:s1+s6], $0x80, s10, s6, $0xb8;
	[tilespmem:$0x10200] =	vst v63  }
0x58: {  	_ =	swait.ge [sflag:s16], $0x4000  }
0x59: {  	[sflag:s16] =	ssyncset.done $0x0  }
0x5a: {  	[sflag:s16] =	ssyncadd.s32 $0xFFFFC000  }
0x5b: {  	[hbm4b:s18+s3] =	stream.linear.scatter [tilespmem:s12], [sflag:$0x6], $0x4000, $0x38;
	[tilespmem:$0x10200] =	vst v63  }
0x5c: {  	_ =	swait.ge [sflag:s17], $0x4000  }
0x5d: {  	[sflag:s17] =	ssyncset.done $0x0  }
0x5e: {  	[sflag:s17] =	ssyncadd.s32 $0xFFFFC000  }
0x5f: {  	_ =	swait.ge [sflag:s19], $0x4000  }
0x60: {  	[sflag:s19] =	ssyncset.done $0x0  }
0x61: {  	[sflag:s19] =	ssyncadd.s32 $0xFFFFC000  }
0x62: {  	[hbm4b:s20+s3] =	stream.linear.scatter [tilespmem:s13], [sflag:$0x6], $0x4000, $0x38;
	[tilespmem:$0x10200] =	vst v63  }
0x63: {  	_ =	swait.ge [sflag:s17], $0x4000  }
0x64: {  	[sflag:s17] =	ssyncset.done $0x0  }
0x65: {  	[sflag:s17] =	ssyncadd.s32 $0xFFFFC000  }
0x66: {  	_ =	swait.ge [sflag:s21], $0x4000  }
0x67: {  	[sflag:s21] =	ssyncset.done $0x0  }
0x68: {  	[sflag:s21] =	ssyncadd.s32 $0xFFFFC000  }
0x69: {  	[hbm4b:s22+s3] =	stream.linear.scatter [tilespmem:s14], [sflag:$0x6], $0x4000, $0x38;
	[tilespmem:$0x10200] =	vst v63  }
0x6a: {  	_ =	swait.ge [sflag:s17], $0x4000  }
0x6b: {  	[sflag:s17] =	ssyncset.done $0x0  }
0x6c: {  	[sflag:s17] =	ssyncadd.s32 $0xFFFFC000  }
0x6d: {  	_ =	swait.ge [sflag:s23], $0x4000  }
.Ltmp1:
0x6e: {  	[sflag:s23] =	ssyncset.done $0x0;
	(pc) =	sbr.rel @p0 .LBB2_1-.Ltmp1, $4  }
0x6f: {  	[sflag:s23] =	ssyncadd.s32 $0xFFFFC000  }
0x70: {  	[hbm4b:s24+s3] =	stream.linear.scatter [tilespmem:s15], [sflag:$0x6], $0x4000, $0x38;
	[tilespmem:$0x10200] =	vst v63  }
0x71: {  	_ =	swait.ge [sflag:s17], $0x4000  }
0x72: {  	[sflag:s17] =	ssyncset.done $0x0  }
.LBB2_2:
0x73: {  	[sflag:s17] =	ssyncadd.s32 $0xFFFFC000  }
0x74: {  	_ =	sfence.sel $0x180000  }
0x75: {  	[bflag:$0x0] =	sbarrier.arrive $0xFFFF  }
0x76: {  	p0 =	sne.s32 s0, $0x0;
	_ =	strace $0x90000047  }
0x77: {  	s0 =	sadd.s32 @!p0 $0x100000, s2;
	[bflag:$0x2] =	sbarrier.arrive $0xFFFF  }
0x78: {  	[sflag:s0] =	ssyncadd.tile.s32 @!p0 $0x1;
	_ =	shalt  }
.Lfunc_end2:
_tile_overlayer_lowered:
.L_overlay_start_2:
0x79: {  	(tag) =	ssettag $0x2  }
0x7a: {  	s0 =	rddreg [dreg:$0x0];
	s2 =	stileid.u32  }
0x7b: {  	s1 =	rddreg [dreg:$0x1];
	p0 =	sne.s32 s2, $0x0  }
0x7c: {  	s3 =	rddreg [dreg:$0x2];
	[bflag:$0x3] =	sbarrier.arrive $0xFFFF;
	s2 =	simm.s32 @!p0 $0x1C06  }
0x7d: {  	[timem:s3], [sflag:s2] =	dma.local @!p0 [hbm:s0], s1  }
0x7e: {  	s0 =	simm.s32 @!p0 $0x6  }
0x7f: {  	_ =	swait.ge @!p0 [sflag:s0], s1  }
0x80: {  	s1 =	ssub.s32 @!p0 $0x0, s1;
	[sflag:s0] =	ssyncset.done @!p0 $0x0  }
0x81: {  	[sflag:s0] =	ssyncadd.s32 @!p0 s1  }
0x82: {  	[bflag:$0x3] =	sbarrier.arrive $0xFFFF  }
0x83: {  	_ =	shalt  }

</sc_bundles>
